<compile_context>
chip_gen: v7x
topology: tpu7x:2x2x1
jax: 0.10.2.dev20260603
libtpu: 0.0.44.dev20260713+nightly
codegen_flags: <defaults>
</compile_context>

<pallas_src>
import functools
import jax
import jax.numpy as jnp
from jax import lax
from jax.experimental import pallas as pl
from jax.experimental.pallas import tpu as pltpu
from jax.experimental.pallas import tpu_sc as plsc

B = 2048
H = 1024
HH = 512
E = 16
OUT = 16
EO = E * OUT
BH = B // 2

BB = 512
BQ = BH // (B // BB)
NC = 2
NS = 16
NW = NC * NS
L = 16
TPW = B // NW
NG = TPW // L


def _k1_kernel(q_ref, W1_ref, b1_ref, W2T_ref, b2_ref,
               x_ref, Wef_ref, logits_ref, y_ref):
    h = jnp.maximum(jnp.dot(q_ref[...], W1_ref[...],
                            preferred_element_type=jnp.float32) + b1_ref[...], 0.0)
    logits_ref[...] = lax.dot_general(
        h, W2T_ref[...], dimension_numbers=(((1,), (1,)), ((), ())),
        preferred_element_type=jnp.float32) + b2_ref[...]
    y_ref[...] = lax.dot_general(
        x_ref[...], Wef_ref[...],
        dimension_numbers=(((1,), (1,)), ((), ())),
        preferred_element_type=jnp.float32)


def _k1(q, W1, b1, W2T, b2, x, We_flat):
    return pl.pallas_call(
        _k1_kernel,
        grid=(B // BB,),
        in_specs=[
            pl.BlockSpec((BB, H), lambda i: (i, 0)),
            pl.BlockSpec((H, HH), lambda i: (0, 0)),
            pl.BlockSpec((HH,), lambda i: (0,)),
            pl.BlockSpec((E, HH), lambda i: (0, 0)),
            pl.BlockSpec((E,), lambda i: (0,)),
            pl.BlockSpec((BQ, H), lambda i: (i, 0)),
            pl.BlockSpec((EO, H), lambda i: (0, 0)),
        ],
        out_specs=[
            pl.BlockSpec((BB, E), lambda i: (i, 0)),
            pl.BlockSpec((BQ, EO), lambda i: (i, 0)),
        ],
        out_shape=[
            jax.ShapeDtypeStruct((B, E), jnp.float32),
            jax.ShapeDtypeStruct((BH, EO), jnp.float32),
        ],
    )(q, W1, b1, W2T, b2, x, We_flat)


def _k2_kernel(x_ref, Wef_ref, y_ref):
    y_ref[...] = lax.dot_general(
        x_ref[...], Wef_ref[...],
        dimension_numbers=(((1,), (1,)), ((), ())),
        preferred_element_type=jnp.float32)


def _k2(x, We_flat):
    nlo = BH // BB
    return pl.pallas_call(
        _k2_kernel,
        grid=(BH // BB,),
        in_specs=[
            pl.BlockSpec((BB, H), lambda i: (i + nlo, 0)),
            pl.BlockSpec((EO, H), lambda i: (0, 0)),
        ],
        out_specs=pl.BlockSpec((BB, EO), lambda i: (i, 0)),
        out_shape=jax.ShapeDtypeStruct((BH, EO), jnp.float32),
    )(x, We_flat)


def _k3_kernel(g_ref, y_lo_ref, y_hi_ref, beF_ref, outT_ref):
    je = lax.broadcasted_iota(jnp.int32, (E, EO), 1) // OUT
    ee = lax.broadcasted_iota(jnp.int32, (E, EO), 0)
    R = (je == ee).astype(jnp.float32)
    jo = lax.broadcasted_iota(jnp.int32, (OUT, EO), 1) % OUT
    oo = lax.broadcasted_iota(jnp.int32, (OUT, EO), 0)
    ST = (jo == oo).astype(jnp.float32)
    half = pl.program_id(0)
    y = jnp.where(half == 0, y_lo_ref[...], y_hi_ref[...])
    gbig = jnp.dot(g_ref[...], R, preferred_element_type=jnp.float32)
    P = gbig * (y + beF_ref[...])
    outT_ref[...] = lax.dot_general(
        ST, P, dimension_numbers=(((1,), (1,)), ((), ())),
        preferred_element_type=jnp.float32)


def _k3(gates, y_lo, y_hi, beF):
    return pl.pallas_call(
        _k3_kernel,
        grid=(2,),
        in_specs=[
            pl.BlockSpec((BH, E), lambda i: (i, 0)),
            pl.BlockSpec((BH, EO), lambda i: (0, 0)),
            pl.BlockSpec((BH, EO), lambda i: (0, 0)),
            pl.BlockSpec((1, EO), lambda i: (0, 0)),
        ],
        out_specs=pl.BlockSpec((OUT, BH), lambda i: (0, i)),
        out_shape=jax.ShapeDtypeStruct((OUT, B), jnp.float32),
    )(gates, y_lo, y_hi, beF)


def _sc_routing_body(logits_hbm, gates_hbm, lg_v, g_v):
    wid = lax.axis_index("s") * NC + lax.axis_index("c")
    base = wid * TPW
    pltpu.sync_copy(logits_hbm.at[pl.ds(base, TPW)], lg_v)

    lanes = lax.iota(jnp.int32, L)

    def group_body(g, _):
        rowidx = g * L + lanes
        def top2_body(e, carry):
            m0, m1, i0, i1 = carry
            v = plsc.load_gather(lg_v, [rowidx, jnp.full((L,), e, jnp.int32)])
            is0 = v > m0
            is1 = jnp.logical_and(jnp.logical_not(is0), v > m1)
            m1 = jnp.where(is0, m0, jnp.where(is1, v, m1))
            i1 = jnp.where(is0, i0, jnp.where(is1, e, i1))
            m0 = jnp.where(is0, v, m0)
            i0 = jnp.where(is0, e, i0)
            return m0, m1, i0, i1

        init = (jnp.full((L,), -jnp.inf, jnp.float32),
                jnp.full((L,), -jnp.inf, jnp.float32),
                jnp.zeros((L,), jnp.int32),
                jnp.zeros((L,), jnp.int32))
        m0, m1, i0, i1 = lax.fori_loop(0, E, top2_body, init)
        ex = jnp.exp(m1 - m0)
        g0 = 1.0 / (1.0 + ex)
        g1 = ex * g0

        def scatter_body(e, _):
            col = jnp.where(i0 == e, g0, 0.0) + jnp.where(i1 == e, g1, 0.0)
            plsc.store_scatter(g_v, [rowidx, jnp.full((L,), e, jnp.int32)], col)
            return 0

        lax.fori_loop(0, E, scatter_body, 0)
        return 0

    lax.fori_loop(0, NG, group_body, 0)

    pltpu.sync_copy(g_v, gates_hbm.at[pl.ds(base, TPW)])


_sc_routing = functools.partial(
    pl.kernel,
    mesh=plsc.VectorSubcoreMesh(core_axis_name="c", subcore_axis_name="s",
                                num_cores=NC, num_subcores=NS),
    compiler_params=pltpu.CompilerParams(needs_layout_passes=False),
    out_type=jax.ShapeDtypeStruct((B, E), jnp.float32),
    scratch_types=[
        pltpu.VMEM((TPW, E), jnp.float32),
        pltpu.VMEM((TPW, E), jnp.float32),
    ],
)(_sc_routing_body)


def kernel(query_repr, x, W1, b1, W2, b2, We, be):
    We_flat = We.reshape(EO, H)
    logits, y_lo = _k1(query_repr, W1, b1, W2.T, b2, x, We_flat)
    gates = _sc_routing(logits)
    y_hi = _k2(x, We_flat)
    beF = be.reshape(1, EO)
    return _k3(gates, y_lo, y_hi, beF).T

# --- scband reference (transcript-rebuilt; emitter-appended) ---
"""Pipeline reference for scband-cpl-mo-e-44839458570560 (READ-ONLY COPY).

The authoritative reference and input builder live on the scoring server;
editing this copy changes nothing except your own understanding.
"""

import jax, jax.numpy as jnp
import numpy as np

B = 2048      # tokens/queries
H = 1024      # hidden_size
E = 16        # num_experts
K = 2         # top_k
OUT = 16      # num_props * 2 = 8 * 2


def setup_inputs(seed: int = 0) -> dict:
    key = jax.random.key(seed)
    ks = jax.random.split(key, 8)
    return {
        "query_repr": jax.random.normal(ks[0], (B, H), dtype=jnp.float32),
        "x": jax.random.normal(ks[1], (B, H), dtype=jnp.float32),
        # QueryGuidedGating: Linear(H, H//2) -> ReLU -> (Dropout eval: identity) -> Linear(H//2, E)
        "W1": jax.random.normal(ks[2], (H, H // 2), dtype=jnp.float32) * 0.02,
        "b1": jnp.zeros((H // 2,), dtype=jnp.float32),
        "W2": jax.random.normal(ks[3], (H // 2, E), dtype=jnp.float32) * 0.02,
        "b2": jnp.zeros((E,), dtype=jnp.float32),
        # QueryGuidedMoELinear expert stack: weight [E, OUT, H], bias [E, OUT]
        "We": jax.random.normal(ks[4], (E, OUT, H), dtype=jnp.float32) * 0.02,
        "be": jax.random.normal(ks[5], (E, OUT), dtype=jnp.float32) * 0.02,
    }


def reference(query_repr, x, W1, b1, W2, b2, We, be):
    # --- QueryGuidedGating.forward ---
    h = jax.nn.relu(query_repr @ W1 + b1)
    logits = h @ W2 + b2                                   # [B, E]
    top_vals, top_idx = jax.lax.top_k(logits, K)           # [B, K]
    top_gates = jax.nn.softmax(top_vals, axis=-1)          # softmax over top-k logits
    rows = jnp.arange(logits.shape[0])[:, None]
    gates = jnp.zeros_like(logits).at[rows, top_idx].set(top_gates)  # sparse scatter [B, E]
    # --- QueryGuidedMoELinear.forward (weight merging) ---
    mixed_w = jnp.einsum('be,eoi->boi', gates, We)         # [B, OUT, H]
    mixed_b = jnp.einsum('be,eo->bo', gates, be)           # [B, OUT]
    # x is 2D: bmm(x.unsqueeze(1), mixed_w.transpose(1,2)).squeeze(1) + mixed_b
    out = jnp.einsum('bi,boi->bo', x, mixed_w) + mixed_b   # [B, OUT]
    return out

if __name__ == "__main__":
    import jax
    _d = setup_inputs()
    print(jax.jit(kernel)(*tuple(_d.values())))

</pallas_src>

<mosaic_0001>
#map = affine_map<(d0, d1) -> (0, 0)>
module attributes {stable_mosaic.version = 14 : i64} {
  func.func @_sc_routing_body(%arg0: i32, %arg1: i32, %arg2: memref<2048x16xf32, #tpu.memory_space<hbm>>, %arg3: memref<2048x16xf32, #tpu.memory_space<hbm>>, %arg4: memref<64x16xf32, #tpu.memory_space<vmem>>, %arg5: memref<64x16xf32, #tpu.memory_space<vmem>>) attributes {dimension_semantics = [#tpu.dimension_semantics<core_parallel>, #tpu.dimension_semantics<subcore_parallel>], iteration_bounds = array<i64: 2, 16>, scalar_prefetch = 0 : i64, scratch_operands = 2 : i64, tpu.core_type = #tpu.core_type<sc_vector_subcore>, window_params = [{transform_indices = #map}, {transform_indices = #map}]} {
    %mul3A = arith.constant 2 : i32
    %mul3A_0 = arith.muli %arg1, %mul3A : i32
    %add3A = arith.addi %mul3A_0, %arg0 : i32
    %mul3A_1 = arith.constant 64 : i32
    %mul3A_2 = arith.muli %add3A, %mul3A_1 : i32
    "tpu.region"() ({
      %run_scoped3A = tpu.sem_alloc : memref<!tpu.dma_semaphore, #tpu.memory_space<semaphore_mem>>
      %dma_start3A = arith.constant 0 : i32
      %dma_start3A_9 = tpu.memref_slice %arg2[%mul3A_2, %dma_start3A] : memref<2048x16xf32, #tpu.memory_space<hbm>> -> memref<64x16xf32, #tpu.memory_space<hbm>>
      %dma_start3A_10 = arith.constant 0 : i32
      %dma_start3A_11 = tpu.memref_slice %arg2[%mul3A_2, %dma_start3A_10] : memref<2048x16xf32, #tpu.memory_space<hbm>> -> memref<64x16xf32, #tpu.memory_space<hbm>>
      tpu.enqueue_dma source(%dma_start3A_11 : memref<64x16xf32, #tpu.memory_space<hbm>>) target(%arg4 : memref<64x16xf32, #tpu.memory_space<vmem>>) target_semaphore(%run_scoped3A : memref<!tpu.dma_semaphore, #tpu.memory_space<semaphore_mem>>)
      %dma_wait3A = arith.constant 0 : i32
      %dma_wait3A_12 = tpu.memref_slice %arg2[%mul3A_2, %dma_wait3A] : memref<2048x16xf32, #tpu.memory_space<hbm>> -> memref<64x16xf32, #tpu.memory_space<hbm>>
      %dma_wait3A_13 = arith.constant 0 : i32
      %dma_wait3A_14 = tpu.memref_slice %arg2[%mul3A_2, %dma_wait3A_13] : memref<2048x16xf32, #tpu.memory_space<hbm>> -> memref<64x16xf32, #tpu.memory_space<hbm>>
      tpu.wait_dma2 semaphore(%run_scoped3A : memref<!tpu.dma_semaphore, #tpu.memory_space<semaphore_mem>>) src(%dma_wait3A_14 : memref<64x16xf32, #tpu.memory_space<hbm>>) dst(%arg4 : memref<64x16xf32, #tpu.memory_space<vmem>>)
      tpu.yield
    }) : () -> ()
    %iota3A = tpu.iota {dimensions = array<i32: 0>} : vector<16xi32>
    %scan3A = arith.constant 0 : i32
    %scan3A_3 = arith.constant 0 : i32
    %scan3A_4 = arith.constant 4 : i32
    %scan3A_5 = arith.addi %scan3A_3, %scan3A_4 : i32
    %scan3A_6 = arith.constant 1 : i32
    %scan3A_7 = scf.for %scan3A_9 = %scan3A_3 to %scan3A_5 step %scan3A_6 iter_args(%scan3A_10 = %scan3A) -> (i32)  : i32 {
      %mul3A_11 = arith.constant 16 : i32
      %mul3A_12 = arith.muli %scan3A_9, %mul3A_11 : i32
      %add3A_13 = vector.broadcast %mul3A_12 : i32 to vector<16xi32>
      %add3A_14 = arith.addi %add3A_13, %iota3A : vector<16xi32>
      %broadcast_in_dim3A = arith.constant 0xFF800000 : f32
      %broadcast_in_dim3A_15 = vector.broadcast %broadcast_in_dim3A : f32 to vector<16xf32>
      %broadcast_in_dim3A_16 = arith.constant 0xFF800000 : f32
      %broadcast_in_dim3A_17 = vector.broadcast %broadcast_in_dim3A_16 : f32 to vector<16xf32>
      %broadcast_in_dim3A_18 = arith.constant 0 : i32
      %broadcast_in_dim3A_19 = vector.broadcast %broadcast_in_dim3A_18 : i32 to vector<16xi32>
      %broadcast_in_dim3A_20 = arith.constant 0 : i32
      %broadcast_in_dim3A_21 = vector.broadcast %broadcast_in_dim3A_20 : i32 to vector<16xi32>
      %scan3A_22 = arith.constant 0 : i32
      %scan3A_23 = arith.constant 16 : i32
      %scan3A_24 = arith.addi %scan3A_22, %scan3A_23 : i32
      %scan3A_25 = arith.constant 1 : i32
      %scan3A_26:4 = scf.for %scan3A_42 = %scan3A_22 to %scan3A_24 step %scan3A_25 iter_args(%scan3A_43 = %broadcast_in_dim3A_15, %scan3A_44 = %broadcast_in_dim3A_17, %scan3A_45 = %broadcast_in_dim3A_19, %scan3A_46 = %broadcast_in_dim3A_21) -> (vector<16xf32>, vector<16xf32>, vector<16xi32>, vector<16xi32>)  : i32 {
        %broadcast_in_dim3A_47 = vector.broadcast %scan3A_42 : i32 to vector<16xi32>
        %gather3A = tpu.vector_load_idx %arg4[%add3A_14, %broadcast_in_dim3A_47] : memref<64x16xf32, #tpu.memory_space<vmem>>[vector<16xi32>, vector<16xi32>], vector<16xf32>,
        %gt3A = arith.cmpf ogt, %gather3A, %scan3A_43 : vector<16xf32>
        %not3A = arith.constant dense<true> : vector<16xi1>
        %not3A_48 = arith.xori %gt3A, %not3A : vector<16xi1>
        %gt3A_49 = arith.cmpf ogt, %gather3A, %scan3A_44 : vector<16xf32>
        %and3A = arith.andi %not3A_48, %gt3A_49 : vector<16xi1>
        %select_n3A = arith.select %and3A, %gather3A, %scan3A_44 : vector<16xi1>, vector<16xf32>
        %select_n3A_50 = arith.select %gt3A, %scan3A_43, %select_n3A : vector<16xi1>, vector<16xf32>
        %broadcast_in_dim3A_51 = vector.broadcast %scan3A_42 : i32 to vector<16xi32>
        %select_n3A_52 = arith.select %and3A, %broadcast_in_dim3A_51, %scan3A_46 : vector<16xi1>, vector<16xi32>
        %select_n3A_53 = arith.select %gt3A, %scan3A_45, %select_n3A_52 : vector<16xi1>, vector<16xi32>
        %select_n3A_54 = arith.select %gt3A, %gather3A, %scan3A_43 : vector<16xi1>, vector<16xf32>
        %broadcast_in_dim3A_55 = vector.broadcast %scan3A_42 : i32 to vector<16xi32>
        %select_n3A_56 = arith.select %gt3A, %broadcast_in_dim3A_55, %scan3A_45 : vector<16xi1>, vector<16xi32>
        scf.yield %select_n3A_54, %select_n3A_50, %select_n3A_56, %select_n3A_53 : vector<16xf32>, vector<16xf32>, vector<16xi32>, vector<16xi32>
      }
      %scan3A_27 = arith.constant 16 : i32
      %sub3A = arith.subf %scan3A_26#1, %scan3A_26#0 : vector<16xf32>
      %exp3A = math.exp %sub3A : vector<16xf32>
      %add3A_28 = arith.constant 1.000000e+00 : f32
      %add3A_29 = vector.broadcast %add3A_28 : f32 to vector<16xf32>
      %add3A_30 = arith.addf %add3A_29, %exp3A : vector<16xf32>
      %div3A = arith.constant 1.000000e+00 : f32
      %div3A_31 = vector.broadcast %div3A : f32 to vector<16xf32>
      %div3A_32 = arith.divf %div3A_31, %add3A_30 : vector<16xf32>
      %mul3A_33 = arith.mulf %exp3A, %div3A_32 : vector<16xf32>
      %scan3A_34 = arith.constant 0 : i32
      %scan3A_35 = arith.constant 0 : i32
      %scan3A_36 = arith.constant 16 : i32
      %scan3A_37 = arith.addi %scan3A_35, %scan3A_36 : i32
      %scan3A_38 = arith.constant 1 : i32
      %scan3A_39 = scf.for %scan3A_42 = %scan3A_35 to %scan3A_37 step %scan3A_38 iter_args(%scan3A_43 = %scan3A_34) -> (i32)  : i32 {
        %eq3A = vector.broadcast %scan3A_42 : i32 to vector<16xi32>
        %eq3A_44 = arith.cmpi eq, %scan3A_26#2, %eq3A : vector<16xi32>
        %jit3A = arith.constant 0.000000e+00 : f32
        %broadcast_in_dim3A_45 = vector.broadcast %jit3A : f32 to vector<16xf32>
        %select_n3A = arith.select %eq3A_44, %div3A_32, %broadcast_in_dim3A_45 : vector<16xi1>, vector<16xf32>
        %eq3A_46 = vector.broadcast %scan3A_42 : i32 to vector<16xi32>
        %eq3A_47 = arith.cmpi eq, %scan3A_26#3, %eq3A_46 : vector<16xi32>
        %jit3A_48 = arith.constant 0.000000e+00 : f32
        %broadcast_in_dim3A_49 = vector.broadcast %jit3A_48 : f32 to vector<16xf32>
        %select_n3A_50 = arith.select %eq3A_47, %mul3A_33, %broadcast_in_dim3A_49 : vector<16xi1>, vector<16xf32>
        %add3A_51 = arith.addf %select_n3A, %select_n3A_50 : vector<16xf32>
        %broadcast_in_dim3A_52 = vector.broadcast %scan3A_42 : i32 to vector<16xi32>
        tpu.vector_store_idx %arg5[%add3A_14, %broadcast_in_dim3A_52], %add3A_51 : memref<64x16xf32, #tpu.memory_space<vmem>>[vector<16xi32>, vector<16xi32>], vector<16xf32>,
        %scan3A_53 = arith.constant 0 : i32
        scf.yield %scan3A_53 : i32
      }
      %scan3A_40 = arith.constant 16 : i32
      %scan3A_41 = arith.constant 0 : i32
      scf.yield %scan3A_41 : i32
    }
    %scan3A_8 = arith.constant 4 : i32
    "tpu.region"() ({
      %run_scoped3A = tpu.sem_alloc : memref<!tpu.dma_semaphore, #tpu.memory_space<semaphore_mem>>
      %dma_start3A = arith.constant 0 : i32
      %dma_start3A_9 = tpu.memref_slice %arg3[%mul3A_2, %dma_start3A] : memref<2048x16xf32, #tpu.memory_space<hbm>> -> memref<64x16xf32, #tpu.memory_space<hbm>>
      %dma_start3A_10 = arith.constant 0 : i32
      %dma_start3A_11 = tpu.memref_slice %arg3[%mul3A_2, %dma_start3A_10] : memref<2048x16xf32, #tpu.memory_space<hbm>> -> memref<64x16xf32, #tpu.memory_space<hbm>>
      tpu.enqueue_dma source(%arg5 : memref<64x16xf32, #tpu.memory_space<vmem>>) target(%dma_start3A_11 : memref<64x16xf32, #tpu.memory_space<hbm>>) target_semaphore(%run_scoped3A : memref<!tpu.dma_semaphore, #tpu.memory_space<semaphore_mem>>)
      %dma_wait3A = arith.constant 0 : i32
      %dma_wait3A_12 = tpu.memref_slice %arg3[%mul3A_2, %dma_wait3A] : memref<2048x16xf32, #tpu.memory_space<hbm>> -> memref<64x16xf32, #tpu.memory_space<hbm>>
      %dma_wait3A_13 = arith.constant 0 : i32
      %dma_wait3A_14 = tpu.memref_slice %arg3[%mul3A_2, %dma_wait3A_13] : memref<2048x16xf32, #tpu.memory_space<hbm>> -> memref<64x16xf32, #tpu.memory_space<hbm>>
      tpu.wait_dma2 semaphore(%run_scoped3A : memref<!tpu.dma_semaphore, #tpu.memory_space<semaphore_mem>>) src(%arg5 : memref<64x16xf32, #tpu.memory_space<vmem>>) dst(%dma_wait3A_14 : memref<64x16xf32, #tpu.memory_space<hbm>>)
      tpu.yield
    }) : () -> ()
    return
  }
}

module attributes {stable_mosaic.version = 14 : i64} {
  func.func @_k1_kernel(%arg0: i32, %arg1: memref<512x1024xf32, #tpu.memory_space<vmem>>, %arg2: memref<1024x512xf32, #tpu.memory_space<vmem>>, %arg3: memref<512xf32, #tpu.memory_space<vmem>>, %arg4: memref<16x512xf32, #tpu.memory_space<vmem>>, %arg5: memref<16xf32, #tpu.memory_space<vmem>>, %arg6: memref<256x1024xf32, #tpu.memory_space<vmem>>, %arg7: memref<256x1024xf32, #tpu.memory_space<vmem>>, %arg8: memref<512x16xf32, #tpu.memory_space<vmem>>, %arg9: memref<256x256xf32, #tpu.memory_space<vmem>>) attributes {dimension_semantics = [#tpu.dimension_semantics<arbitrary>], iteration_bounds = array<i64: 4>, scalar_prefetch = 0 : i64, scratch_operands = 0 : i64, tpu.core_type = #tpu.core_type<tc>, window_params = [{transform_indices = @transform_0, window_bounds = array<i64: 512, 1024>}, {pipeline_mode = #tpu.pipeline_mode<synchronous>, transform_indices = @transform_1, window_bounds = array<i64: 1024, 512>}, {pipeline_mode = #tpu.pipeline_mode<synchronous>, transform_indices = @transform_2, window_bounds = array<i64: 512>}, {pipeline_mode = #tpu.pipeline_mode<synchronous>, transform_indices = @transform_3, window_bounds = array<i64: 16, 512>}, {pipeline_mode = #tpu.pipeline_mode<synchronous>, transform_indices = @transform_4, window_bounds = array<i64: 16>}, {transform_indices = @transform_5, window_bounds = array<i64: 256, 1024>}, {pipeline_mode = #tpu.pipeline_mode<synchronous>, transform_indices = @transform_6, window_bounds = array<i64: 256, 1024>}, {transform_indices = @transform_7, window_bounds = array<i64: 512, 16>}, {transform_indices = @transform_8, window_bounds = array<i64: 256, 256>}]} {
    %get3A = arith.constant 0 : index
    %get3A_0 = arith.constant 0 : index
    %get3A_1 = vector.load %arg1[%get3A, %get3A_0] : memref<512x1024xf32, #tpu.memory_space<vmem>>, vector<512x1024xf32>
    %get3A_2 = arith.constant 0 : index
    %get3A_3 = arith.constant 0 : index
    %get3A_4 = vector.load %arg2[%get3A_2, %get3A_3] : memref<1024x512xf32, #tpu.memory_space<vmem>>, vector<1024x512xf32>
    %dot_general3A = arith.constant dense<0.000000e+00> : vector<512x512xf32>
    %dot_general3A_5 = tpu.matmul %get3A_1, %get3A_4, %dot_general3A {dimension_numbers = #tpu.dot_dimension_numbers<[1], [0], [0], [1], [0, 0, 1, 1], [], []>, transpose_lhs_hint = false} : vector<512x1024xf32>, vector<1024x512xf32>, vector<512x512xf32> -> vector<512x512xf32>
    %get3A_6 = arith.constant 0 : index
    %get3A_7 = vector.load %arg3[%get3A_6] : memref<512xf32, #tpu.memory_space<vmem>>, vector<512xf32>
    %broadcast_in_dim3A = vector.shape_cast %get3A_7 : vector<512xf32> to vector<1x512xf32>
    %add3A = vector.broadcast %broadcast_in_dim3A : vector<1x512xf32> to vector<512x512xf32>
    %add3A_8 = arith.addf %dot_general3A_5, %add3A : vector<512x512xf32>
    %max3A = arith.constant 0.000000e+00 : f32
    %max3A_9 = vector.broadcast %max3A : f32 to vector<512x512xf32>
    %max3A_10 = arith.maximumf %add3A_8, %max3A_9 : vector<512x512xf32>
    %get3A_11 = arith.constant 0 : index
    %get3A_12 = arith.constant 0 : index
    %get3A_13 = vector.load %arg4[%get3A_11, %get3A_12] : memref<16x512xf32, #tpu.memory_space<vmem>>, vector<16x512xf32>
    %dot_general3A_14 = arith.constant dense<0.000000e+00> : vector<512x16xf32>
    %dot_general3A_15 = tpu.matmul %max3A_10, %get3A_13, %dot_general3A_14 {dimension_numbers = #tpu.dot_dimension_numbers<[1], [1], [0], [0], [0, 0, 1, 0], [], []>, transpose_lhs_hint = false} : vector<512x512xf32>, vector<16x512xf32>, vector<512x16xf32> -> vector<512x16xf32>
    %get3A_16 = arith.constant 0 : index
    %get3A_17 = vector.load %arg5[%get3A_16] : memref<16xf32, #tpu.memory_space<vmem>>, vector<16xf32>
    %broadcast_in_dim3A_18 = vector.shape_cast %get3A_17 : vector<16xf32> to vector<1x16xf32>
    %add3A_19 = vector.broadcast %broadcast_in_dim3A_18 : vector<1x16xf32> to vector<512x16xf32>
    %add3A_20 = arith.addf %dot_general3A_15, %add3A_19 : vector<512x16xf32>
    %swap3A = arith.constant 0 : index
    %swap3A_21 = arith.constant 0 : index
    %swap3A_22 = vector.load %arg8[%swap3A, %swap3A_21] : memref<512x16xf32, #tpu.memory_space<vmem>>, vector<512x16xf32>
    tpu.vector_store %arg8[%swap3A, %swap3A_21], %add3A_20 {strides = array<i32>} : memref<512x16xf32, #tpu.memory_space<vmem>>, vector<512x16xf32>,
    %get3A_23 = arith.constant 0 : index
    %get3A_24 = arith.constant 0 : index
    %get3A_25 = vector.load %arg6[%get3A_23, %get3A_24] : memref<256x1024xf32, #tpu.memory_space<vmem>>, vector<256x1024xf32>
    %get3A_26 = arith.constant 0 : index
    %get3A_27 = arith.constant 0 : index
    %get3A_28 = vector.load %arg7[%get3A_26, %get3A_27] : memref<256x1024xf32, #tpu.memory_space<vmem>>, vector<256x1024xf32>
    %dot_general3A_29 = arith.constant dense<0.000000e+00> : vector<256x256xf32>
    %dot_general3A_30 = tpu.matmul %get3A_25, %get3A_28, %dot_general3A_29 {dimension_numbers = #tpu.dot_dimension_numbers<[1], [1], [0], [0], [0, 0, 1, 0], [], []>, transpose_lhs_hint = false} : vector<256x1024xf32>, vector<256x1024xf32>, vector<256x256xf32> -> vector<256x256xf32>
    %swap3A_31 = arith.constant 0 : index
    %swap3A_32 = arith.constant 0 : index
    %swap3A_33 = vector.load %arg9[%swap3A_31, %swap3A_32] : memref<256x256xf32, #tpu.memory_space<vmem>>, vector<256x256xf32>
    tpu.vector_store %arg9[%swap3A_31, %swap3A_32], %dot_general3A_30 {strides = array<i32>} : memref<256x256xf32, #tpu.memory_space<vmem>>, vector<256x256xf32>,
    return
  }
  func.func @transform_0(%arg0: i32) -> (i32, i32) {
    %c0_i32 = arith.constant 0 : i32
    %c0_i32_0 = arith.constant 0 : i32
    return %arg0, %c0_i32 : i32, i32
  }
  func.func @transform_1(%arg0: i32) -> (i32, i32) {
    %c0_i32 = arith.constant 0 : i32
    %c0_i32_0 = arith.constant 0 : i32
    %c0_i32_1 = arith.constant 0 : i32
    return %c0_i32, %c0_i32_0 : i32, i32
  }
  func.func @transform_2(%arg0: i32) -> i32 {
    %c0_i32 = arith.constant 0 : i32
    %c0_i32_0 = arith.constant 0 : i32
    return %c0_i32 : i32
  }
  func.func @transform_3(%arg0: i32) -> (i32, i32) {
    %c0_i32 = arith.constant 0 : i32
    %c0_i32_0 = arith.constant 0 : i32
    %c0_i32_1 = arith.constant 0 : i32
    return %c0_i32, %c0_i32_0 : i32, i32
  }
  func.func @transform_4(%arg0: i32) -> i32 {
    %c0_i32 = arith.constant 0 : i32
    %c0_i32_0 = arith.constant 0 : i32
    return %c0_i32 : i32
  }
  func.func @transform_5(%arg0: i32) -> (i32, i32) {
    %c0_i32 = arith.constant 0 : i32
    %c0_i32_0 = arith.constant 0 : i32
    return %arg0, %c0_i32 : i32, i32
  }
  func.func @transform_6(%arg0: i32) -> (i32, i32) {
    %c0_i32 = arith.constant 0 : i32
    %c0_i32_0 = arith.constant 0 : i32
    %c0_i32_1 = arith.constant 0 : i32
    return %c0_i32, %c0_i32_0 : i32, i32
  }
  func.func @transform_7(%arg0: i32) -> (i32, i32) {
    %c0_i32 = arith.constant 0 : i32
    %c0_i32_0 = arith.constant 0 : i32
    return %arg0, %c0_i32 : i32, i32
  }
  func.func @transform_8(%arg0: i32) -> (i32, i32) {
    %c0_i32 = arith.constant 0 : i32
    %c0_i32_0 = arith.constant 0 : i32
    return %arg0, %c0_i32 : i32, i32
  }
}

module attributes {stable_mosaic.version = 14 : i64} {
  func.func @_k2_kernel(%arg0: i32, %arg1: memref<512x1024xf32, #tpu.memory_space<vmem>>, %arg2: memref<256x1024xf32, #tpu.memory_space<vmem>>, %arg3: memref<512x256xf32, #tpu.memory_space<vmem>>) attributes {dimension_semantics = [#tpu.dimension_semantics<arbitrary>], iteration_bounds = array<i64: 2>, scalar_prefetch = 0 : i64, scratch_operands = 0 : i64, tpu.core_type = #tpu.core_type<tc>, window_params = [{transform_indices = @transform_0, window_bounds = array<i64: 512, 1024>}, {pipeline_mode = #tpu.pipeline_mode<synchronous>, transform_indices = @transform_1, window_bounds = array<i64: 256, 1024>}, {transform_indices = @transform_2, window_bounds = array<i64: 512, 256>}]} {
    %get3A = arith.constant 0 : index
    %get3A_0 = arith.constant 0 : index
    %get3A_1 = vector.load %arg1[%get3A, %get3A_0] : memref<512x1024xf32, #tpu.memory_space<vmem>>, vector<512x1024xf32>
    %get3A_2 = arith.constant 0 : index
    %get3A_3 = arith.constant 0 : index
    %get3A_4 = vector.load %arg2[%get3A_2, %get3A_3] : memref<256x1024xf32, #tpu.memory_space<vmem>>, vector<256x1024xf32>
    %dot_general3A = arith.constant dense<0.000000e+00> : vector<512x256xf32>
    %dot_general3A_5 = tpu.matmul %get3A_1, %get3A_4, %dot_general3A {dimension_numbers = #tpu.dot_dimension_numbers<[1], [1], [0], [0], [0, 0, 1, 0], [], []>, transpose_lhs_hint = false} : vector<512x1024xf32>, vector<256x1024xf32>, vector<512x256xf32> -> vector<512x256xf32>
    %swap3A = arith.constant 0 : index
    %swap3A_6 = arith.constant 0 : index
    %swap3A_7 = vector.load %arg3[%swap3A, %swap3A_6] : memref<512x256xf32, #tpu.memory_space<vmem>>, vector<512x256xf32>
    tpu.vector_store %arg3[%swap3A, %swap3A_6], %dot_general3A_5 {strides = array<i32>} : memref<512x256xf32, #tpu.memory_space<vmem>>, vector<512x256xf32>,
    return
  }
  func.func @transform_0(%arg0: i32) -> (i32, i32) {
    %add3A = arith.constant 2 : i32
    %add3A_0 = arith.addi %arg0, %add3A : i32
    %c0_i32 = arith.constant 0 : i32
    %c0_i32_1 = arith.constant 0 : i32
    return %add3A_0, %c0_i32 : i32, i32
  }
  func.func @transform_1(%arg0: i32) -> (i32, i32) {
    %c0_i32 = arith.constant 0 : i32
    %c0_i32_0 = arith.constant 0 : i32
    %c0_i32_1 = arith.constant 0 : i32
    return %c0_i32, %c0_i32_0 : i32, i32
  }
  func.func @transform_2(%arg0: i32) -> (i32, i32) {
    %c0_i32 = arith.constant 0 : i32
    %c0_i32_0 = arith.constant 0 : i32
    return %arg0, %c0_i32 : i32, i32
  }
}

module attributes {stable_mosaic.version = 14 : i64} {
  func.func @_k3_kernel(%arg0: i32, %arg1: memref<1024x16xf32, #tpu.memory_space<vmem>>, %arg2: memref<1024x256xf32, #tpu.memory_space<vmem>>, %arg3: memref<1024x256xf32, #tpu.memory_space<vmem>>, %arg4: memref<1x256xf32, #tpu.memory_space<vmem>>, %arg5: memref<16x1024xf32, #tpu.memory_space<vmem>>) attributes {dimension_semantics = [#tpu.dimension_semantics<arbitrary>], iteration_bounds = array<i64: 2>, scalar_prefetch = 0 : i64, scratch_operands = 0 : i64, tpu.core_type = #tpu.core_type<tc>, window_params = [{transform_indices = @transform_0, window_bounds = array<i64: 1024, 16>}, {pipeline_mode = #tpu.pipeline_mode<synchronous>, transform_indices = @transform_1, window_bounds = array<i64: 1024, 256>}, {pipeline_mode = #tpu.pipeline_mode<synchronous>, transform_indices = @transform_2, window_bounds = array<i64: 1024, 256>}, {pipeline_mode = #tpu.pipeline_mode<synchronous>, transform_indices = @transform_3, window_bounds = array<i64: 1, 256>}, {transform_indices = @transform_4, window_bounds = array<i64: 16, 1024>}]} {
    %iota3A = tpu.iota {dimensions = array<i32: 1>} : vector<16x256xi32>
    %jit3A = arith.constant 16 : i32
    %div3A = vector.broadcast %jit3A : i32 to vector<16x256xi32>
    %div3A_0 = arith.divsi %iota3A, %div3A : vector<16x256xi32>
    %sign3A = arith.constant 0 : i32
    %sign3A_1 = vector.broadcast %sign3A : i32 to vector<16x256xi32>
    %sign3A_2 = arith.cmpi sgt, %iota3A, %sign3A_1 : vector<16x256xi32>
    %sign3A_3 = arith.extui %sign3A_2 : vector<16x256xi1> to vector<16x256xi32>
    %sign3A_4 = arith.constant 0 : i32
    %sign3A_5 = vector.broadcast %sign3A_4 : i32 to vector<16x256xi32>
    %sign3A_6 = arith.cmpi slt, %iota3A, %sign3A_5 : vector<16x256xi32>
    %sign3A_7 = arith.extui %sign3A_6 : vector<16x256xi1> to vector<16x256xi32>
    %sign3A_8 = arith.subi %sign3A_3, %sign3A_7 : vector<16x256xi32>
    %sign3A_9 = arith.constant 0 : i32
    %sign3A_10 = arith.cmpi sgt, %jit3A, %sign3A_9 : i32
    %sign3A_11 = arith.extui %sign3A_10 : i1 to i32
    %sign3A_12 = arith.constant 0 : i32
    %sign3A_13 = arith.cmpi slt, %jit3A, %sign3A_12 : i32
    %sign3A_14 = arith.extui %sign3A_13 : i1 to i32
    %sign3A_15 = arith.subi %sign3A_11, %sign3A_14 : i32
    %ne3A = vector.broadcast %sign3A_15 : i32 to vector<16x256xi32>
    %ne3A_16 = arith.cmpi ne, %sign3A_8, %ne3A : vector<16x256xi32>
    %rem3A = vector.broadcast %jit3A : i32 to vector<16x256xi32>
    %rem3A_17 = arith.remsi %iota3A, %rem3A : vector<16x256xi32>
    %ne3A_18 = arith.constant 0 : i32
    %ne3A_19 = vector.broadcast %ne3A_18 : i32 to vector<16x256xi32>
    %ne3A_20 = arith.cmpi ne, %rem3A_17, %ne3A_19 : vector<16x256xi32>
    %and3A = arith.andi %ne3A_16, %ne3A_20 : vector<16x256xi1>
    %sub3A = arith.constant 1 : i32
    %sub3A_21 = vector.broadcast %sub3A : i32 to vector<16x256xi32>
    %sub3A_22 = arith.subi %div3A_0, %sub3A_21 : vector<16x256xi32>
    %select_n3A = arith.select %and3A, %sub3A_22, %div3A_0 : vector<16x256xi1>, vector<16x256xi32>
    %iota3A_23 = tpu.iota {dimensions = array<i32: 0>} : vector<16x256xi32>
    %eq3A = arith.cmpi eq, %select_n3A, %iota3A_23 : vector<16x256xi32>
    %convert_element_type3A = arith.extui %eq3A : vector<16x256xi1> to vector<16x256xi32>
    %convert_element_type3A_24 = arith.sitofp %convert_element_type3A : vector<16x256xi32> to vector<16x256xf32>
    %iota3A_25 = tpu.iota {dimensions = array<i32: 1>} : vector<16x256xi32>
    %jit3A_26 = arith.constant 16 : i32
    %eq3A_27 = arith.constant 0 : i32
    %eq3A_28 = arith.cmpi eq, %jit3A_26, %eq3A_27 : i32
    %jit3A_29 = arith.constant 1 : i32
    %select_n3A_30 = arith.select %eq3A_28, %jit3A_29, %jit3A_26 : i32
    %rem3A_31 = vector.broadcast %select_n3A_30 : i32 to vector<16x256xi32>
    %rem3A_32 = arith.remsi %iota3A_25, %rem3A_31 : vector<16x256xi32>
    %ne3A_33 = arith.constant 0 : i32
    %ne3A_34 = vector.broadcast %ne3A_33 : i32 to vector<16x256xi32>
    %ne3A_35 = arith.cmpi ne, %rem3A_32, %ne3A_34 : vector<16x256xi32>
    %lt3A = arith.constant 0 : i32
    %lt3A_36 = vector.broadcast %lt3A : i32 to vector<16x256xi32>
    %lt3A_37 = arith.cmpi slt, %rem3A_32, %lt3A_36 : vector<16x256xi32>
    %lt3A_38 = arith.constant 0 : i32
    %lt3A_39 = arith.cmpi slt, %select_n3A_30, %lt3A_38 : i32
    %ne3A_40 = vector.broadcast %lt3A_39 : i1 to vector<16x256xi1>
    %ne3A_41 = vector.broadcast %ne3A_40 : vector<16x256xi1> to vector<16x256xi1>
    %ne3A_42 = arith.xori %lt3A_37, %ne3A_41 : vector<16x256xi1>
    %and3A_43 = arith.andi %ne3A_42, %ne3A_35 : vector<16x256xi1>
    %add3A = vector.broadcast %select_n3A_30 : i32 to vector<16x256xi32>
    %add3A_44 = arith.addi %rem3A_32, %add3A : vector<16x256xi32>
    %select_n3A_45 = arith.select %and3A_43, %add3A_44, %rem3A_32 : vector<16x256xi1>, vector<16x256xi32>
    %iota3A_46 = tpu.iota {dimensions = array<i32: 0>} : vector<16x256xi32>
    %eq3A_47 = arith.cmpi eq, %select_n3A_45, %iota3A_46 : vector<16x256xi32>
    %convert_element_type3A_48 = arith.extui %eq3A_47 : vector<16x256xi1> to vector<16x256xi32>
    %convert_element_type3A_49 = arith.sitofp %convert_element_type3A_48 : vector<16x256xi32> to vector<16x256xf32>
    %eq3A_50 = arith.constant 0 : i32
    %eq3A_51 = arith.cmpi eq, %arg0, %eq3A_50 : i32
    %get3A = arith.constant 0 : index
    %get3A_52 = arith.constant 0 : index
    %get3A_53 = vector.load %arg2[%get3A, %get3A_52] : memref<1024x256xf32, #tpu.memory_space<vmem>>, vector<1024x256xf32>
    %get3A_54 = arith.constant 0 : index
    %get3A_55 = arith.constant 0 : index
    %get3A_56 = vector.load %arg3[%get3A_54, %get3A_55] : memref<1024x256xf32, #tpu.memory_space<vmem>>, vector<1024x256xf32>
    %select_n3A_57 = arith.select %eq3A_51, %get3A_53, %get3A_56 : vector<1024x256xf32>
    %get3A_58 = arith.constant 0 : index
    %get3A_59 = arith.constant 0 : index
    %get3A_60 = vector.load %arg1[%get3A_58, %get3A_59] : memref<1024x16xf32, #tpu.memory_space<vmem>>, vector<1024x16xf32>
    %dot_general3A = arith.constant dense<0.000000e+00> : vector<1024x256xf32>
    %dot_general3A_61 = tpu.matmul %get3A_60, %convert_element_type3A_24, %dot_general3A {dimension_numbers = #tpu.dot_dimension_numbers<[1], [0], [0], [1], [0, 0, 1, 1], [], []>, transpose_lhs_hint = false} : vector<1024x16xf32>, vector<16x256xf32>, vector<1024x256xf32> -> vector<1024x256xf32>
    %get3A_62 = arith.constant 0 : index
    %get3A_63 = arith.constant 0 : index
    %get3A_64 = vector.load %arg4[%get3A_62, %get3A_63] : memref<1x256xf32, #tpu.memory_space<vmem>>, vector<1x256xf32>
    %add3A_65 = vector.broadcast %get3A_64 : vector<1x256xf32> to vector<1024x256xf32>
    %add3A_66 = arith.addf %select_n3A_57, %add3A_65 : vector<1024x256xf32>
    %mul3A = arith.mulf %dot_general3A_61, %add3A_66 : vector<1024x256xf32>
    %dot_general3A_67 = arith.constant dense<0.000000e+00> : vector<16x1024xf32>
    %dot_general3A_68 = tpu.matmul %convert_element_type3A_49, %mul3A, %dot_general3A_67 {dimension_numbers = #tpu.dot_dimension_numbers<[1], [1], [0], [0], [0, 0, 1, 0], [], []>, transpose_lhs_hint = false} : vector<16x256xf32>, vector<1024x256xf32>, vector<16x1024xf32> -> vector<16x1024xf32>
    %swap3A = arith.constant 0 : index
    %swap3A_69 = arith.constant 0 : index
    %swap3A_70 = vector.load %arg5[%swap3A, %swap3A_69] : memref<16x1024xf32, #tpu.memory_space<vmem>>, vector<16x1024xf32>
    tpu.vector_store %arg5[%swap3A, %swap3A_69], %dot_general3A_68 {strides = array<i32>} : memref<16x1024xf32, #tpu.memory_space<vmem>>, vector<16x1024xf32>,
    return
  }
  func.func @transform_0(%arg0: i32) -> (i32, i32) {
    %c0_i32 = arith.constant 0 : i32
    %c0_i32_0 = arith.constant 0 : i32
    return %arg0, %c0_i32 : i32, i32
  }
  func.func @transform_1(%arg0: i32) -> (i32, i32) {
    %c0_i32 = arith.constant 0 : i32
    %c0_i32_0 = arith.constant 0 : i32
    %c0_i32_1 = arith.constant 0 : i32
    return %c0_i32, %c0_i32_0 : i32, i32
  }
  func.func @transform_2(%arg0: i32) -> (i32, i32) {
    %c0_i32 = arith.constant 0 : i32
    %c0_i32_0 = arith.constant 0 : i32
    %c0_i32_1 = arith.constant 0 : i32
    return %c0_i32, %c0_i32_0 : i32, i32
  }
  func.func @transform_3(%arg0: i32) -> (i32, i32) {
    %c0_i32 = arith.constant 0 : i32
    %c0_i32_0 = arith.constant 0 : i32
    %c0_i32_1 = arith.constant 0 : i32
    return %c0_i32, %c0_i32_0 : i32, i32
  }
  func.func @transform_4(%arg0: i32) -> (i32, i32) {
    %c0_i32 = arith.constant 0 : i32
    %c0_i32_0 = arith.constant 0 : i32
    return %c0_i32, %arg0 : i32, i32
  }
}

</mosaic_0001>

<sc_bundles>
// kernel: kernel.6.cloned.1.call-start
scs
__scs_entry_jumppad:
0x0: {  	(pc) =	sbr.rel $0x88, $3  }
0x1: {  	(tag) =	ssettag $0x0;
	lr =	simm.s32 $0x1  }
0x2: {  	[smem:$0x3F99] =	sst lr;
	_ =	strace $0xD0000000  }
0x3: {  	_ = 	snop  }
0x4: {  	_ = 	snop  }
0x5: {  	_ = 	snop  }
0x6: {  	_ = 	snop  }
0x7: {  	_ = 	snop  }
__scs_overlays_trampoline_lowered:
0x8: {  	[smem:$0x3FA8] =	sst s0  }
0x9: {  	[smem:$0x3FA9] =	sst s1  }
0xa: {  	[smem:$0x3FAA] =	sst s2  }
0xb: {  	[smem:$0x3FAB] =	sst s3  }
0xc: {  	[smem:$0x3FAC] =	sst s4  }
0xd: {  	[smem:$0x3FAD] =	sst s5  }
0xe: {  	[smem:$0x3FAE] =	sst s6  }
0xf: {  	[smem:$0x3FAF] =	sst s7  }
0x10: {  	[smem:$0x3FB0] =	sst s8  }
0x11: {  	[smem:$0x3FB1] =	sst s9;
	s0 =	simm.s32 @!p0 $0x0  }
0x12: {  	s1 =	sld [smem:$0x3F97];
	s0 =	simm.s32 @p0 $0x1  }
0x13: {  	[smem:$0x3FB2] =	sst s0;
	s0 =	simm.s32 @!p1 $0x0  }
0x14: {  	s2 =	sld [smem:$0x3F96];
	s0 =	simm.s32 @p1 $0x1  }
0x15: {  	[smem:$0x3FB3] =	sst s0;
	s0 =	simm.s32 @!p2 $0x0  }
0x16: {  	s3 =	sld [smem:$0x3FDB];
	s0 =	simm.s32 @p2 $0x1  }
0x17: {  	s4 =	simm.s32 $0x1BF5;
	[smem:$0x3FB5] =	sst s0  }
0x18: {  	s0 =	sld [smem:$0x3F98];
	_ =	swait.ge [sflag:s4], $0x0  }
0x19: {  	s7 =	sld [smem:$0x3F99]  }
0x1a: {  	s8 =	sadd.s32 $0xFFFFE003, lr  }
0x1b: {  	s9 =	sadd.s32 $0xFFFFFEF7, lr;
	s5 =	simm.s32 $0xFFFFFFFF;
	p2 =	slt.u32 s8, $0xFFFFF086  }
0x1c: {  	p1 =	slt.u32 s9, $0xF7A;
	s5 =	simm.s32 @!p2 $0x0  }
0x1d: {  	s5 =	simm.s32 @p1 $0x1;
	p0 =	seq.s32 s7, s2  }
0x1e: {  	s7 =	smul.u32 @!p0 $0xF7A, s2;
	p2 =	seq.s32 @!p0 s5, $0x0  }
0x1f: {  	s9 =	smul.u32 $0xF7A, s1;
	s8 =	simm.s32 @!p0 $0x1BF5;
	p2 =	por !p2, p0  }
0x20: {  	[sflag:s8] =	ssyncset.s32 @!p0 $0xFFFFF086;
	s6 =	sadd.s32 @!p0 s3, s7;
	s7 =	simm.s32 @!p0 $0x108  }
0x21: {  	s3 =	sadd.s32 s3, s9;
	s6 =	sadd.s32 @!p0 $0x88, s6;
	s7 =	simm.s32 @p2 $0x1082  }
0x22: {  	[simem:s7], [sflag:s8] =	dma.local @!p0 [hbm:s6], $0xF7A  }
0x23: {  	s9 =	sor.u32 $0xD0000000, s2;
	s6 =	simm.s32 $0x108;
	_ =	swait.ge @!p0 [sflag:s8], $0x0  }
0x24: {  	s3 =	sadd.s32 $0x88, s3;
	s6 =	simm.s32 @!p1 $0x1082;
	[sflag:s4] =	ssyncset.s32 $0xFFFFF086  }
0x25: {  	[simem:s6], [sflag:s4] =	dma.local [hbm:s3], $0xF7A  }
0x26: {  	[smem:$0x3F99] =	sst s1;
	(tag) =	ssettag s2;
	_ =	strace s9  }
0x27: {  	s1 =	sld [smem:$0x3FA9]  }
0x28: {  	s2 =	sld [smem:$0x3FAA]  }
0x29: {  	s4 =	sld [smem:$0x3FAC]  }
0x2a: {  	p0 =	seq.s32 s5, $0x0;
	s5 =	sld [smem:$0x3FAD]  }
0x2b: {  	s6 =	sld [smem:$0x3FAE]  }
0x2c: {  	s7 =	sld [smem:$0x3FAF]  }
0x2d: {  	s3 =	simm.s32 $0x108;
	s8 =	sld [smem:$0x3FB0]  }
0x2e: {  	s3 =	simm.s32 @!p0 $0x1082;
	s9 =	sld [smem:$0x3FB1]  }
0x2f: {  	lr =	sadd.s32 s0, s3;
	s0 =	sld [smem:$0x3FA8]  }
0x30: {  	s3 =	sld [smem:$0x3FAB]  }
0x31: {  	[smem:$0x3FB4] =	sst s10  }
0x32: {  	s10 =	sld [smem:$0x3FB2];
	_ =	sdelay $0x3  }
0x33: {  	p0 =	seq.s32 s10, $0x1;
	s10 =	sld [smem:$0x3FB4];
	_ =	sdelay $0x3  }
0x34: {  	[smem:$0x3FB4] =	sst s10  }
0x35: {  	s10 =	sld [smem:$0x3FB3];
	_ =	sdelay $0x3  }
0x36: {  	p1 =	seq.s32 s10, $0x1;
	s10 =	sld [smem:$0x3FB4];
	_ =	sdelay $0x3  }
0x37: {  	[smem:$0x3FB4] =	sst s10  }
0x38: {  	s10 =	sld [smem:$0x3FB5]  }
0x39: {  	_ = 	snop;
	(pc) =	sbr.ind lr, $3  }
0x3a: {  	_ = 	snop  }
0x3b: {  	_ = 	snop  }
0x3c: {  	p2 =	seq.s32 s10, $0x1;
	s10 =	sld [smem:$0x3FB4]  }
0x3d: {  	_ =	shalt  }
0x3e: {  	_ =	shalt  }
0x3f: {  	_ =	shalt  }
0x40: {  	_ =	shalt  }
0x41: {  	_ =	shalt  }
0x42: {  	_ =	shalt  }
0x43: {  	_ =	shalt  }
0x44: {  	_ =	shalt  }
0x45: {  	_ =	shalt  }
0x46: {  	_ =	shalt  }
0x47: {  	_ =	shalt  }
0x48: {  	_ =	shalt  }
0x49: {  	_ =	shalt  }
0x4a: {  	_ =	shalt  }
0x4b: {  	_ =	shalt  }
0x4c: {  	_ =	shalt  }
0x4d: {  	_ =	shalt  }
0x4e: {  	_ =	shalt  }
0x4f: {  	_ =	shalt  }
0x50: {  	_ =	shalt  }
0x51: {  	_ =	shalt  }
0x52: {  	_ =	shalt  }
0x53: {  	_ =	shalt  }
0x54: {  	_ =	shalt  }
0x55: {  	_ =	shalt  }
0x56: {  	_ =	shalt  }
0x57: {  	_ =	shalt  }
0x58: {  	_ =	shalt  }
0x59: {  	_ =	shalt  }
0x5a: {  	_ =	shalt  }
0x5b: {  	_ =	shalt  }
0x5c: {  	_ =	shalt  }
0x5d: {  	_ =	shalt  }
0x5e: {  	_ =	shalt  }
0x5f: {  	_ =	shalt  }
0x60: {  	_ =	shalt  }
0x61: {  	_ =	shalt  }
0x62: {  	_ =	shalt  }
0x63: {  	_ =	shalt  }
0x64: {  	_ =	shalt  }
0x65: {  	_ =	shalt  }
0x66: {  	_ =	shalt  }
0x67: {  	_ =	shalt  }
0x68: {  	_ =	shalt  }
0x69: {  	_ =	shalt  }
0x6a: {  	_ =	shalt  }
0x6b: {  	_ =	shalt  }
0x6c: {  	_ =	shalt  }
0x6d: {  	_ =	shalt  }
0x6e: {  	_ =	shalt  }
0x6f: {  	_ =	shalt  }
0x70: {  	_ =	shalt  }
0x71: {  	_ =	shalt  }
0x72: {  	_ =	shalt  }
0x73: {  	_ =	shalt  }
0x74: {  	_ =	shalt  }
0x75: {  	_ =	shalt  }
0x76: {  	_ =	shalt  }
0x77: {  	_ =	shalt  }
0x78: {  	_ =	shalt  }
0x79: {  	_ =	shalt  }
0x7a: {  	_ =	shalt  }
0x7b: {  	_ =	shalt  }
0x7c: {  	_ =	shalt  }
0x7d: {  	_ =	shalt  }
0x7e: {  	_ =	shalt  }
0x7f: {  	_ =	shalt  }
0x80: {  	_ =	shalt  }
0x81: {  	_ =	shalt  }
0x82: {  	_ =	shalt  }
0x83: {  	_ =	shalt  }
0x84: {  	_ =	shalt  }
0x85: {  	_ =	shalt  }
0x86: {  	_ =	shalt  }
0x87: {  	_ =	shalt  }
.Lfunc_end0:
.L_simem_size_0:
called_computation_lowered:
.L_overlay_start_0:
0x88: {  	s2 =	sld [smem:$0x3FD9]  }
0x89: {  	s3 =	sld [smem:$0x3FFE];
	_ =	sdelay $0x1  }
0x8a: {  	s1 =	srdreg.scid  }
0x8b: {  	s0 =	sand.u32 $0x1, s1  }
0x8c: {  	s16 =	sshll.u32 s0, $0xA;
	s2 =	sadd.s32 s3, s2  }
0x8d: {  	s2 =	sadd.s32 s2, s16  }
0x8e: {  	[smem:$0x3FC0] =	sst s2  }
0x8f: {  	_ = 	snop  }
0x90: {  	(tm) =	ssettm $0x1  }
0x91: {  	s17 =	sld [smem:$0x3FFB];
	_ =	sdelay $0x3  }
0x92: {  	_ =	strace s17  }
0x93: {  	s2 =	sld [smem:$0x3FFC];
	_ =	sdelay $0x3  }
0x94: {  	_ =	strace s2  }
0x95: {  	s2 =	sld [smem:$0x3FFD];
	_ =	sdelay $0x3  }
0x96: {  	_ =	strace s2  }
0x97: {  	_ =	strace $0x8FFFFFFF  }
0x98: {  	s18 =	sld [smem:$0x3FDB];
	_ =	sdelay $0x1  }
0x99: {  	s19 =	simm.s32 $_scs_section_size  }
0x9a: {  	s4 =	simm.s32 $_size__tile_overlayer_lowered;
	s5 =	simm.s32 $_tile_overlayer_lowered  }
0x9b: {  	s22 =	simm.s32 $0x1BFF;
	s21 =	sshll.u32 s5, $0x1;
	s2 =	sadd.s32 s19, s18  }
0x9c: {  	s6 =	simm.s32 $0x0;
	s20 =	sshll.u32 s4, $0x1;
	s4 =	sadd.s32 s21, s2  }
0x9d: {  	[timem:s6], [sflag:s22] =	dma.local [hbm:s4], s20  }
0x9e: {  	_ =	swait.ge [sflag:s22], s20  }
0x9f: {  	s3 =	ssub.s32 $0x0, s20;
	[sflag:s22] =	ssyncset.done $0x0  }
0xa0: {  	[sflag:s22] =	ssyncadd.s32 s3;
	_ =	sdelay $0x1  }
0xa1: {  	s23 =	simm.s32 $0x1B8B  }
0xa2: {  	_ =	swait.ge [sflag:s23], $0x1  }
0xa3: {  	[sflag:s23] =	ssyncset.done $0x0  }
0xa4: {  	s25 =	simm.s32 $0x1B8E;
	s24 =	sld [smem:$0x3FFE];
	[sflag:s23] =	ssyncadd.s32 $0xFFFFFFFF  }
0xa5: {  	s26 =	simm.s32 $execute0_lowered;
	[smem:$0x3FD2] =	sst s25  }
0xa6: {  	s4 =	sshll.u32 s26, $0x1;
	_ =	strace $0x80000046;
	[dreg:$0x1] =	wrdreg $0xFFFFFFFF  }
0xa7: {  	s28 =	simm.s32 $_size_execute0_lowered;
	s2 =	sadd.s32 s2, s4;
	[dreg:$0x0] =	wrdreg $0x0  }
0xa8: {  	s4 =	sshll.u32 s28, $0x1;
	[dreg:$0x2] =	wrdreg s2  }
0xa9: {  	[dreg:$0x3] =	wrdreg s4  }
0xaa: {  	[dreg:$0x4] =	wrdreg $0xC0  }
0xab: {  	_ =	task [dreg:s6], $0x5FFFF  }
0xac: {  	[dreg:$0x1] =	wrdreg $0xFFFFFFFF  }
0xad: {  	[dreg:$0x0] =	wrdreg $0x60  }
0xae: {  	[dreg:$0x2] =	wrdreg s24  }
0xaf: {  	[dreg:$0x3] =	wrdreg $0x9  }
0xb0: {  	_ =	task.clear_ibuf [dreg:s6], $0x4FFFF;
	_ =	strace $0x90000046  }
0xb1: {  	s29 =	simm.s32 $0x9;
	_ =	strace $0x80000048  }
0xb2: {  	_ =	swait.ge [sflag:s29], $0x1  }
0xb3: {  	[sflag:s29] =	ssyncadd.s32 $0xFFFFFFFF  }
0xb4: {  	_ =	strace $0x90000048  }
0xb5: {  	_ =	sfence  }
0xb6: {  	s30 =	sld [smem:$0x0];
	_ =	sdelay $0x2  }
0xb7: {  	s31 =	sshll.u32 s1, $0xD;
	s1 =	sshrl.u32 s1, $0x2  }
0xb8: {  	s3 =	sand.u32 $0x4000, s31;
	s1 =	sadd.s32 s1, s30  }
0xb9: {  	s0 =	sor.u32 s3, s0;
	s1 =	sshll.u32 s1, $0x11  }
0xba: {  	s0 =	sor.u32 s1, s0  }
0xbb: {  	s0 =	sadd.s32 $0x8F2B, s0  }
0xbc: {  	[sflag:s0] =	ssyncadd.remote.s32 $0x1  }
0xbd: {  	_ =	sfence.sel $0xFFFF  }
0xbe: {  	[dreg:$0x0] =	wrdreg $0xFFFFFFFF;
	(pc) =	sbr.abs _section_cstart, $3  }
0xbf: {  	[dreg:$0x1] =	wrdreg $0xFFFFFFFF  }
0xc0: {  	_ =	task.clear_ibuf [dreg:s6], $0x2FFFF;
	_ =	strace $0x9FFFFFFF  }
0xc1: {  	(tm) =	ssettm $0x7FFFFFFF  }
tec
execute0_lowered:
.L_overlay_start_1:
0x0: {  	(tag) =	ssettag $0x1  }
0x1: {  	s3 =	rddreg [dreg:$0x0]  }
0x2: {  	s0 =	rddreg [dreg:$0x1];
	s4 =	srdreg.scid  }
0x3: {  	s2 =	simm.s32 $0x0;
	s1 =	stileid.u32;
	s4 =	sand.u32 $0x1, s4  }
0x4: {  	s7 =	simm.s32 $0x2000;
	s5 =	sshll.u32 s1, $0xB;
	s6 =	sshll.u32 s4, $0xA  }
0x5: {  	s8 =	simm.s32 $0x0;
	s4 =	ssub.s32 $0x2, s4;
	s5 =	sor.u32 s6, s5  }
0x6: {  	[smem:$0x7FF] =	sst s2;
	s31 =	sshrl.u32 s4, $0x1;
	s5 =	sadd.s32 s5, s3  }
0x7: {  	v0 =	vlaneseq.u32;
	_ =	strace $0x80000047;
	s6 =	ssub.s32 s4, s31;
	s3 =	sadd.s32 $0x1A00, s5  }
0x8: {  	v0 =	vmul.u32 $0x80, v0;
	s4 =	sadd.s32 $0x9A00, s5;
	s5 =	smax.u32 s6, $0x1;
	s6 =	simm.s32 $0x1  }
.LBB2_1:
0x9: {  	[tilespmem:s2], [sflag:$0x1] =	stream.linear.gather [hbm4b:s3+s2], $0x2000, $0x38;
	[tilespmem:$0x4000] =	vst v63  }
0xa: {  	_ =	swait.ge [sflag:s6], $0x2000  }
0xb: {  	[sflag:s6] =	ssyncset.done $0x0  }
0xc: {  	s9 =	simm.s32 $0x0;
	[sflag:s6] =	ssyncadd.s32 $0xFFFFE000  }
.LBB2_2:
0xd: {  	s10 =	sshll.u32 s9, $0x4  }
0xe: {  	v1 =	vmov s10  }
0xf: {  	v1 =	vshll.u32 v1, $0x7  }
0x10: {  	v1 =	vor.u32 v0, v1;
	_ =	sdelay $0x4  }
0x11: {  	s12 =	simm.s32 $0x0;
	v4 =	vor.u32 $0x1, v1;
	v9 =	vld.idx.msk [tilespmem:v1+s2+$0x0], $0xffff  }
0x12: {  	v3 =	vadd.s32 s12, v4;
	_ =	sdelay $0x2  }
0x13: {  	v6 =	vimm.f32 $-Inf  }
0x14: {  	s10 =	simm.s32 $0x1;
	vm0 =	vgt.f32 v9, v6  }
0x15: {  	v8 =	vadd.s32 s10, v4;
	v7 =	vld.idx.msk [tilespmem:v3+s2+$0x0], $0xffff;
	vm1 =	vgt.f32 v9, v6;
	vm0 =	vmneg vm0  }
0x16: {  	v2 =	vimm.s32 $0x0;
	vm1 =	vmand vm0, vm1;
	v5 =	vsel vm0, v6, v9  }
0x17: {  	s11 =	simm.s32 $0x2;
	v3 =	vnsel vm0, s12, v2;
	v10 =	vsel vm1, v9, v6;
	v9 =	vsel vm1, s12, v2  }
.LBB2_3:
0x18: {  	p0 =	sne.s32 s11, $0xF;
	v10 =	vsel vm0, v10, v6;
	v9 =	vsel vm0, v9, v2;
	v6 =	vmovc v5;
	v2 =	vmov v3;
	s12 =	smov.u32 s11;
	s11 =	sadd.s32 $0x1, s11  }
.Ltmp0:
0x19: {  	(pc) =	sbr.rel @p0 .LBB2_3-.Ltmp0, $4  }
0x1a: {  	vm0 =	vgt.f32 v7, v5;
	v11 =	vmov v7;
	v7 =	vld.idx.msk [tilespmem:v8+s2+$0x0], $0xffff  }
0x1b: {  	v8 =	vadd.s32 s12, v4;
	vm0 =	vmneg vm0;
	vm1 =	vgt.f32 v11, v10  }
0x1c: {  	vm1 =	vmand vm0, vm1;
	v5 =	vsel vm0, v5, v11;
	v3 =	vnsel vm0, s10, v3  }
0x1d: {  	v10 =	vsel vm1, v11, v10;
	v9 =	vsel vm1, s10, v9;
	s10 =	smov.u32 s12  }
0x1e: {  	_ = 	snop  }
0x1f: {  	v4 =	vsel vm0, v10, v6;
	vm1 =	vgt.f32 v7, v5  }
0x20: {  	vm2 =	vgt.f32 v7, v4;
	vm1 =	vmneg vm1  }
0x21: {  	vm2 =	vmand vm1, vm2  }
0x22: {  	v4 =	vsel vm2, v7, v4  }
0x23: {  	v6 =	vsel vm1, v5, v7;
	v4 =	vsel vm1, v4, v5  }
0x24: {  	v4 =	vsub.f32 v4, v6;
	_ =	sdelay $0x1  }
0x25: {  	v4 =	vmul.f32 $1.442695020e+00, v4;
	_ =	sdelay $0x1  }
0x26: {  	(erf) = vpow2.f32 v4;
	_ =	sdelay $0x8  }
0x27: {  	v5 =	vpop (erf)  }
0x28: {  	v4 =	vadd.f32 $1.000000000e+00, v5;
	_ =	sdelay $0x1  }
0x29: {  	(erf) = vrcp.f32 v4;
	_ =	sdelay $0x5  }
0x2a: {  	v2 =	vsel vm0, v9, v2;
	_ =	sdelay $0x2  }
0x2b: {  	s11 =	simm.s32 $0x0;
	v6 =	vsel vm2, s10, v2;
	v4 =	vnsel vm1, s10, v3;
	v2 =	vpop (erf)  }
0x2c: {  	v3 =	vsel vm1, v6, v3;
	v6 =	vadd.s32 s11, v1;
	v5 =	vmul.f32 v2, v5  }
0x2d: {  	vm15 =	veq.s32 v4, s11;
	vm1 =	veq.s32 v3, s11  }
0x2e: {  	v7 =	vnsel vm15, $0x0, v2;
	v8 =	vnsel vm1, $0x0, v5  }
0x2f: {  	s10 =	simm.s32 $0x1;
	v7 =	vadd.f32 v8, v7  }
.LBB2_5:
0x30: {  	p0 =	sne.s32 s10, $0xF  }
.Ltmp1:
0x31: {  	s11 =	smov.u32 s10;
	s10 =	sadd.s32 $0x1, s10;
	[tilespmem:v6+s7+$0x0] =	vst.idx.msk $0xffff, v7;
	(pc) =	sbr.rel @p0 .LBB2_5-.Ltmp1, $4  }
0x32: {  	v6 =	vadd.s32 s11, v1  }
0x33: {  	vm0 =	veq.s32 v4, s11;
	vm1 =	veq.s32 v3, s11  }
0x34: {  	v7 =	vnsel vm0, $0x0, v2;
	v8 =	vnsel vm1, $0x0, v5  }
0x35: {  	v7 =	vadd.f32 v8, v7  }
0x36: {  	s9 =	sadd.s32 $0x1, s9  }
0x37: {  	p0 =	sne.s32 s9, $0x4  }
.Ltmp2:
0x38: {  	_ = 	snop;
	(pc) =	sbr.rel @p0 .LBB2_2-.Ltmp2, $2  }
0x39: {  	_ =	sdelay $0x2  }
0x3a: {  	[tilespmem:v6+s7+$0x0] =	vst.idx.msk $0xffff, v7  }
0x3b: {  	s8 =	sadd.s32 $0x1, s8  }
0x3c: {  	p0 =	sne.s32 s8, s5  }
.Ltmp3:
0x3d: {  	_ = 	snop;
	(pc) =	sbr.rel @p0 .LBB2_1-.Ltmp3, $4  }
0x3e: {  	[hbm4b:s4+s2] =	stream.linear.scatter [tilespmem:s7], [sflag:$0x1], $0x2000, $0x38;
	[tilespmem:$0x4000] =	vst v63  }
0x3f: {  	_ =	swait.ge [sflag:s6], $0x2000  }
0x40: {  	[sflag:s6] =	ssyncset.done $0x0  }
0x41: {  	[sflag:s6] =	ssyncadd.s32 $0xFFFFE000  }
0x42: {  	_ =	sfence.sel $0x180000  }
0x43: {  	[bflag:$0x0] =	sbarrier.arrive $0xFFFF  }
0x44: {  	p0 =	sne.s32 s1, $0x0;
	_ =	strace $0x90000047  }
0x45: {  	s0 =	sadd.s32 @!p0 $0x100000, s0;
	[bflag:$0x2] =	sbarrier.arrive $0xFFFF  }
0x46: {  	[sflag:s0] =	ssyncadd.tile.s32 @!p0 $0x1;
	_ =	shalt  }
.Lfunc_end2:
_tile_overlayer_lowered:
.L_overlay_start_2:
0x47: {  	(tag) =	ssettag $0x2  }
0x48: {  	s0 =	rddreg [dreg:$0x0];
	s2 =	stileid.u32  }
0x49: {  	s1 =	rddreg [dreg:$0x1];
	p0 =	sne.s32 s2, $0x0  }
0x4a: {  	s3 =	rddreg [dreg:$0x2];
	[bflag:$0x3] =	sbarrier.arrive $0xFFFF;
	s2 =	simm.s32 @!p0 $0x1C01  }
0x4b: {  	[timem:s3], [sflag:s2] =	dma.local @!p0 [hbm:s0], s1  }
0x4c: {  	s0 =	simm.s32 @!p0 $0x1  }
0x4d: {  	_ =	swait.ge @!p0 [sflag:s0], s1  }
0x4e: {  	s1 =	ssub.s32 @!p0 $0x0, s1;
	[sflag:s0] =	ssyncset.done @!p0 $0x0  }
0x4f: {  	[sflag:s0] =	ssyncadd.s32 @!p0 s1  }
0x50: {  	[bflag:$0x3] =	sbarrier.arrive $0xFFFF  }
0x51: {  	_ =	shalt  }

</sc_bundles>
